<compile_context>
chip_gen: v7x
topology: tpu7x:2x2x1
jax: 0.10.2.dev20260603
libtpu: 0.0.44.dev20260713+nightly
codegen_flags: <defaults>
</compile_context>

<pallas_src>
import jax
import jax.numpy as jnp
from jax import lax
from jax.experimental import pallas as pl
from jax.experimental.pallas import tpu as pltpu
from jax.experimental.pallas import tpu_sc as plsc

BATCH = 16384
DIM = 128
NC, NS = 2, 16
NW = NC * NS
NCHUNK = 1
CHUNK = BATCH // NCHUNK
BPW = CHUNK // NW


H = BPW // 2


def _gather_body(uid_hbm, iid_hbm, utab_hbm, itab_hbm, out_u, out_i,
                 idxu0, idxu1, idxi0, idxi1, b0, b1, b2,
                 si0, si1, si2, si3, sg0, sg1, sg2, sw0, sw1, sw2):
    wid = lax.axis_index("s") * NC + lax.axis_index("c")
    base = wid * BPW
    c0 = pltpu.async_copy(uid_hbm.at[pl.ds(base, H)], idxu0, si0)
    c1 = pltpu.async_copy(uid_hbm.at[pl.ds(base + H, H)], idxu1, si1)
    c2 = pltpu.async_copy(iid_hbm.at[pl.ds(base, H)], idxi0, si2)
    c3 = pltpu.async_copy(iid_hbm.at[pl.ds(base + H, H)], idxi1, si3)
    c0.wait()
    g0 = pltpu.async_copy(utab_hbm.at[idxu0], b0, sg0)
    c1.wait()
    g1 = pltpu.async_copy(utab_hbm.at[idxu1], b1, sg1)
    c2.wait()
    g2 = pltpu.async_copy(itab_hbm.at[idxi0], b2, sg2)
    g0.wait()
    w0 = pltpu.async_copy(b0, out_u.at[pl.ds(base, H)], sw0)
    g1.wait()
    w1 = pltpu.async_copy(b1, out_u.at[pl.ds(base + H, H)], sw1)
    c3.wait()
    w0.wait()
    g3 = pltpu.async_copy(itab_hbm.at[idxi1], b0, sg0)
    g2.wait()
    w2 = pltpu.async_copy(b2, out_i.at[pl.ds(base, H)], sw2)
    g3.wait()
    w3 = pltpu.async_copy(b0, out_i.at[pl.ds(base + H, H)], sw0)
    w1.wait()
    w2.wait()
    w3.wait()


_gather = pl.kernel(
    _gather_body,
    out_type=(
        jax.ShapeDtypeStruct((CHUNK, DIM), jnp.float32),
        jax.ShapeDtypeStruct((CHUNK, DIM), jnp.float32),
    ),
    mesh=plsc.VectorSubcoreMesh(core_axis_name="c", subcore_axis_name="s"),
    scratch_types=[
        pltpu.VMEM((H,), jnp.int32),
        pltpu.VMEM((H,), jnp.int32),
        pltpu.VMEM((H,), jnp.int32),
        pltpu.VMEM((H,), jnp.int32),
        pltpu.VMEM((H, DIM), jnp.float32),
        pltpu.VMEM((H, DIM), jnp.float32),
        pltpu.VMEM((H, DIM), jnp.float32),
    ] + [pltpu.SemaphoreType.DMA] * 10,
)


def _leaky(x):
    return jnp.where(x >= 0, x, 0.01 * x)


def _bdot(a, w):
    return jnp.dot(a.astype(jnp.bfloat16), w.astype(jnp.bfloat16),
                   preferred_element_type=jnp.float32)


def _mlp_body(u_ref, i_ref, w1a, w1b, b1, w2, b2, w3, b3, w4, b4, w5r, b5,
              out_ref):
    h = _bdot(u_ref[...], w1a[...])
    h = h + _bdot(i_ref[...], w1b[...])
    h = _leaky(h + b1[...])
    h = _leaky(jnp.dot(h, w2[...], preferred_element_type=jnp.float32) + b2[...])
    h = _leaky(jnp.dot(h, w3[...], preferred_element_type=jnp.float32) + b3[...])
    h = _leaky(jnp.dot(h, w4[...], preferred_element_type=jnp.float32) + b4[...])
    ht = h.T
    out_ref[...] = jnp.sum(ht * w5r[...], axis=0) + b5[0, 0]


def _mlp(u, i, W1a, W1b, b1, W2, b2, W3, b3, W4, b4, w5r, b5):
    TB = 4096
    grid = (CHUNK // TB,)
    full = lambda shape: pl.BlockSpec(shape, lambda g: (0,) * len(shape))
    return pl.pallas_call(
        _mlp_body,
        grid=grid,
        in_specs=[
            pl.BlockSpec((TB, DIM), lambda g: (g, 0)),
            pl.BlockSpec((TB, DIM), lambda g: (g, 0)),
            full((DIM, 64)), full((DIM, 64)), full((1, 64)),
            full((64, 64)), full((1, 64)),
            full((64, 32)), full((1, 32)),
            full((32, 16)), full((1, 16)),
            full((16, 1)), full((1, 1)),
        ],
        out_specs=pl.BlockSpec((TB,), lambda g: (g,)),
        out_shape=jax.ShapeDtypeStruct((CHUNK,), jnp.float32),
    )(u, i, W1a, W1b, b1, W2, b2, W3, b3, W4, b4, w5r, b5)


def kernel(uid, iid, user_table, item_table, W1, b1, W2, b2, W3, b3, W4, b4,
           W5, b5):
    wargs = (W1[:DIM], W1[DIM:], b1.reshape(1, 64),
             W2, b2.reshape(1, 64),
             W3, b3.reshape(1, 32),
             W4, b4.reshape(1, 16),
             W5, b5.reshape(1, 1))
    gathered = [
        _gather(uid[k * CHUNK:(k + 1) * CHUNK], iid[k * CHUNK:(k + 1) * CHUNK],
                user_table, item_table)
        for k in range(NCHUNK)
    ]
    outs = [_mlp(u, i, *wargs) for (u, i) in gathered]
    out = outs[0] if NCHUNK == 1 else jnp.concatenate(outs, axis=0)
    return out.reshape(BATCH, 1)

# --- scband reference (transcript-rebuilt; emitter-appended) ---
"""Pipeline reference for scband-f2deep-rs-34918084116659 (READ-ONLY COPY).

The authoritative reference and input builder live on the scoring server;
editing this copy changes nothing except your own understanding.
"""

import jax, jax.numpy as jnp
import numpy as np

NUM_USER = 100000
NUM_ITEM = 100000
VEC_DIM = 128
BATCH = 16384

def _linear_params(key, fan_in, fan_out):
    k1, k2 = jax.random.split(key)
    bound = 1.0 / np.sqrt(fan_in)
    W = jax.random.uniform(k1, (fan_in, fan_out), minval=-bound, maxval=bound, dtype=jnp.float32)
    b = jax.random.uniform(k2, (fan_out,), minval=-bound, maxval=bound, dtype=jnp.float32)
    return W, b

def setup_inputs(seed: int = 0) -> dict:
    key = jax.random.key(seed)
    ks = jax.random.split(key, 9)
    uid = jax.random.randint(ks[0], (BATCH,), 0, NUM_USER, dtype=jnp.int64 if jax.config.jax_enable_x64 else jnp.int32)
    iid = jax.random.randint(ks[1], (BATCH,), 0, NUM_ITEM, dtype=jnp.int64 if jax.config.jax_enable_x64 else jnp.int32)
    user_table = jax.random.normal(ks[2], (NUM_USER, VEC_DIM), dtype=jnp.float32)
    item_table = jax.random.normal(ks[3], (NUM_ITEM, VEC_DIM), dtype=jnp.float32)
    W1, b1 = _linear_params(ks[4], VEC_DIM * 2, 64)
    W2, b2 = _linear_params(ks[5], 64, 64)
    W3, b3 = _linear_params(ks[6], 64, 32)
    W4, b4 = _linear_params(ks[7], 32, 16)
    W5, b5 = _linear_params(ks[8], 16, 1)
    return {"uid": uid, "iid": iid, "user_table": user_table, "item_table": item_table,
            "W1": W1, "b1": b1, "W2": W2, "b2": b2, "W3": W3, "b3": b3,
            "W4": W4, "b4": b4, "W5": W5, "b5": b5}

def _leaky_relu(x):
    return jnp.where(x >= 0, x, 0.01 * x)

def reference(uid, iid, user_table, item_table, W1, b1, W2, b2, W3, b3, W4, b4, W5, b5):
    user_emb = jnp.take(user_table, uid, axis=0)
    item_emb = jnp.take(item_table, iid, axis=0)
    v = jnp.concatenate([user_emb, item_emb], axis=1)
    h = _leaky_relu(v @ W1 + b1)
    h = _leaky_relu(h @ W2 + b2)
    h = _leaky_relu(h @ W3 + b3)
    h = _leaky_relu(h @ W4 + b4)
    out = h @ W5 + b5
    return out

if __name__ == "__main__":
    import jax
    _d = setup_inputs()
    print(jax.jit(kernel)(*tuple(_d.values())))

</pallas_src>

<mosaic_0001>
#map = affine_map<(d0, d1) -> (0)>
#map1 = affine_map<(d0, d1) -> (0, 0)>
module attributes {stable_mosaic.version = 14 : i64} {
  func.func @_gather_body(%arg0: i32, %arg1: i32, %arg2: memref<16384xi32, #tpu.memory_space<hbm>>, %arg3: memref<16384xi32, #tpu.memory_space<hbm>>, %arg4: memref<100000x128xf32, #tpu.memory_space<hbm>>, %arg5: memref<100000x128xf32, #tpu.memory_space<hbm>>, %arg6: memref<16384x128xf32, #tpu.memory_space<hbm>>, %arg7: memref<16384x128xf32, #tpu.memory_space<hbm>>, %arg8: memref<256xi32, #tpu.memory_space<vmem>>, %arg9: memref<256xi32, #tpu.memory_space<vmem>>, %arg10: memref<256xi32, #tpu.memory_space<vmem>>, %arg11: memref<256xi32, #tpu.memory_space<vmem>>, %arg12: memref<256x128xf32, #tpu.memory_space<vmem>>, %arg13: memref<256x128xf32, #tpu.memory_space<vmem>>, %arg14: memref<256x128xf32, #tpu.memory_space<vmem>>, %arg15: memref<!tpu.dma_semaphore, #tpu.memory_space<semaphore_mem>>, %arg16: memref<!tpu.dma_semaphore, #tpu.memory_space<semaphore_mem>>, %arg17: memref<!tpu.dma_semaphore, #tpu.memory_space<semaphore_mem>>, %arg18: memref<!tpu.dma_semaphore, #tpu.memory_space<semaphore_mem>>, %arg19: memref<!tpu.dma_semaphore, #tpu.memory_space<semaphore_mem>>, %arg20: memref<!tpu.dma_semaphore, #tpu.memory_space<semaphore_mem>>, %arg21: memref<!tpu.dma_semaphore, #tpu.memory_space<semaphore_mem>>, %arg22: memref<!tpu.dma_semaphore, #tpu.memory_space<semaphore_mem>>, %arg23: memref<!tpu.dma_semaphore, #tpu.memory_space<semaphore_mem>>, %arg24: memref<!tpu.dma_semaphore, #tpu.memory_space<semaphore_mem>>) attributes {dimension_semantics = [#tpu.dimension_semantics<core_parallel>, #tpu.dimension_semantics<subcore_parallel>], iteration_bounds = array<i64: 2, 16>, scalar_prefetch = 0 : i64, scratch_operands = 17 : i64, tpu.core_type = #tpu.core_type<sc_vector_subcore>, window_params = [{transform_indices = #map}, {transform_indices = #map}, {transform_indices = #map1}, {transform_indices = #map1}, {transform_indices = #map1}, {transform_indices = #map1}]} {
    %mul3A = arith.constant 2 : i32
    %mul3A_0 = arith.muli %arg1, %mul3A : i32
    %add3A = arith.addi %mul3A_0, %arg0 : i32
    %mul3A_1 = arith.constant 512 : i32
    %mul3A_2 = arith.muli %add3A, %mul3A_1 : i32
    %dma_start3A = tpu.memref_slice %arg2[%mul3A_2] : memref<16384xi32, #tpu.memory_space<hbm>> -> memref<256xi32, #tpu.memory_space<hbm>>
    %dma_start3A_3 = tpu.memref_slice %arg2[%mul3A_2] : memref<16384xi32, #tpu.memory_space<hbm>> -> memref<256xi32, #tpu.memory_space<hbm>>
    tpu.enqueue_dma source(%dma_start3A_3 : memref<256xi32, #tpu.memory_space<hbm>>) target(%arg8 : memref<256xi32, #tpu.memory_space<vmem>>) target_semaphore(%arg15 : memref<!tpu.dma_semaphore, #tpu.memory_space<semaphore_mem>>)
    %add3A_4 = arith.constant 256 : i32
    %add3A_5 = arith.addi %mul3A_2, %add3A_4 : i32
    %dma_start3A_6 = tpu.memref_slice %arg2[%add3A_5] : memref<16384xi32, #tpu.memory_space<hbm>> -> memref<256xi32, #tpu.memory_space<hbm>>
    %dma_start3A_7 = tpu.memref_slice %arg2[%add3A_5] : memref<16384xi32, #tpu.memory_space<hbm>> -> memref<256xi32, #tpu.memory_space<hbm>>
    tpu.enqueue_dma source(%dma_start3A_7 : memref<256xi32, #tpu.memory_space<hbm>>) target(%arg9 : memref<256xi32, #tpu.memory_space<vmem>>) target_semaphore(%arg16 : memref<!tpu.dma_semaphore, #tpu.memory_space<semaphore_mem>>)
    %dma_start3A_8 = tpu.memref_slice %arg3[%mul3A_2] : memref<16384xi32, #tpu.memory_space<hbm>> -> memref<256xi32, #tpu.memory_space<hbm>>
    %dma_start3A_9 = tpu.memref_slice %arg3[%mul3A_2] : memref<16384xi32, #tpu.memory_space<hbm>> -> memref<256xi32, #tpu.memory_space<hbm>>
    tpu.enqueue_dma source(%dma_start3A_9 : memref<256xi32, #tpu.memory_space<hbm>>) target(%arg10 : memref<256xi32, #tpu.memory_space<vmem>>) target_semaphore(%arg17 : memref<!tpu.dma_semaphore, #tpu.memory_space<semaphore_mem>>)
    %add3A_10 = arith.constant 256 : i32
    %add3A_11 = arith.addi %mul3A_2, %add3A_10 : i32
    %dma_start3A_12 = tpu.memref_slice %arg3[%add3A_11] : memref<16384xi32, #tpu.memory_space<hbm>> -> memref<256xi32, #tpu.memory_space<hbm>>
    %dma_start3A_13 = tpu.memref_slice %arg3[%add3A_11] : memref<16384xi32, #tpu.memory_space<hbm>> -> memref<256xi32, #tpu.memory_space<hbm>>
    tpu.enqueue_dma source(%dma_start3A_13 : memref<256xi32, #tpu.memory_space<hbm>>) target(%arg11 : memref<256xi32, #tpu.memory_space<vmem>>) target_semaphore(%arg18 : memref<!tpu.dma_semaphore, #tpu.memory_space<semaphore_mem>>)
    %dma_wait3A = tpu.memref_slice %arg2[%mul3A_2] : memref<16384xi32, #tpu.memory_space<hbm>> -> memref<256xi32, #tpu.memory_space<hbm>>
    %dma_wait3A_14 = tpu.memref_slice %arg2[%mul3A_2] : memref<16384xi32, #tpu.memory_space<hbm>> -> memref<256xi32, #tpu.memory_space<hbm>>
    tpu.wait_dma2 semaphore(%arg15 : memref<!tpu.dma_semaphore, #tpu.memory_space<semaphore_mem>>) src(%dma_wait3A_14 : memref<256xi32, #tpu.memory_space<hbm>>) dst(%arg8 : memref<256xi32, #tpu.memory_space<vmem>>)
    %dma_start3A_15 = arith.constant 0 : i32
    %dma_start3A_16 = arith.constant 0 : i32
    %dma_start3A_17 = tpu.memref_slice %arg4[%dma_start3A_15, %dma_start3A_16] : memref<100000x128xf32, #tpu.memory_space<hbm>> -> memref<100000x128xf32, #tpu.memory_space<hbm>>
    tpu.enqueue_indirect_dma source(%dma_start3A_17 : memref<100000x128xf32, #tpu.memory_space<hbm>>) target(%arg12 : memref<256x128xf32, #tpu.memory_space<vmem>>) offsets(%arg8 : memref<256xi32, #tpu.memory_space<vmem>>) semaphore(%arg19 : memref<!tpu.dma_semaphore, #tpu.memory_space<semaphore_mem>>)
    %dma_wait3A_18 = tpu.memref_slice %arg2[%add3A_5] : memref<16384xi32, #tpu.memory_space<hbm>> -> memref<256xi32, #tpu.memory_space<hbm>>
    %dma_wait3A_19 = tpu.memref_slice %arg2[%add3A_5] : memref<16384xi32, #tpu.memory_space<hbm>> -> memref<256xi32, #tpu.memory_space<hbm>>
    tpu.wait_dma2 semaphore(%arg16 : memref<!tpu.dma_semaphore, #tpu.memory_space<semaphore_mem>>) src(%dma_wait3A_19 : memref<256xi32, #tpu.memory_space<hbm>>) dst(%arg9 : memref<256xi32, #tpu.memory_space<vmem>>)
    %dma_start3A_20 = arith.constant 0 : i32
    %dma_start3A_21 = arith.constant 0 : i32
    %dma_start3A_22 = tpu.memref_slice %arg4[%dma_start3A_20, %dma_start3A_21] : memref<100000x128xf32, #tpu.memory_space<hbm>> -> memref<100000x128xf32, #tpu.memory_space<hbm>>
    tpu.enqueue_indirect_dma source(%dma_start3A_22 : memref<100000x128xf32, #tpu.memory_space<hbm>>) target(%arg13 : memref<256x128xf32, #tpu.memory_space<vmem>>) offsets(%arg9 : memref<256xi32, #tpu.memory_space<vmem>>) semaphore(%arg20 : memref<!tpu.dma_semaphore, #tpu.memory_space<semaphore_mem>>)
    %dma_wait3A_23 = tpu.memref_slice %arg3[%mul3A_2] : memref<16384xi32, #tpu.memory_space<hbm>> -> memref<256xi32, #tpu.memory_space<hbm>>
    %dma_wait3A_24 = tpu.memref_slice %arg3[%mul3A_2] : memref<16384xi32, #tpu.memory_space<hbm>> -> memref<256xi32, #tpu.memory_space<hbm>>
    tpu.wait_dma2 semaphore(%arg17 : memref<!tpu.dma_semaphore, #tpu.memory_space<semaphore_mem>>) src(%dma_wait3A_24 : memref<256xi32, #tpu.memory_space<hbm>>) dst(%arg10 : memref<256xi32, #tpu.memory_space<vmem>>)
    %dma_start3A_25 = arith.constant 0 : i32
    %dma_start3A_26 = arith.constant 0 : i32
    %dma_start3A_27 = tpu.memref_slice %arg5[%dma_start3A_25, %dma_start3A_26] : memref<100000x128xf32, #tpu.memory_space<hbm>> -> memref<100000x128xf32, #tpu.memory_space<hbm>>
    tpu.enqueue_indirect_dma source(%dma_start3A_27 : memref<100000x128xf32, #tpu.memory_space<hbm>>) target(%arg14 : memref<256x128xf32, #tpu.memory_space<vmem>>) offsets(%arg10 : memref<256xi32, #tpu.memory_space<vmem>>) semaphore(%arg21 : memref<!tpu.dma_semaphore, #tpu.memory_space<semaphore_mem>>)
    %dma_wait3A_28 = arith.constant 0 : i32
    %dma_wait3A_29 = arith.constant 0 : i32
    %dma_wait3A_30 = tpu.memref_slice %arg4[%dma_wait3A_28, %dma_wait3A_29] : memref<100000x128xf32, #tpu.memory_space<hbm>> -> memref<100000x128xf32, #tpu.memory_space<hbm>>
    tpu.wait_indirect_dma semaphore(%arg19 : memref<!tpu.dma_semaphore, #tpu.memory_space<semaphore_mem>>) src(%dma_wait3A_30 : memref<100000x128xf32, #tpu.memory_space<hbm>>) dst(%arg12 : memref<256x128xf32, #tpu.memory_space<vmem>>)
    %dma_start3A_31 = arith.constant 0 : i32
    %dma_start3A_32 = tpu.memref_slice %arg6[%mul3A_2, %dma_start3A_31] : memref<16384x128xf32, #tpu.memory_space<hbm>> -> memref<256x128xf32, #tpu.memory_space<hbm>>
    %dma_start3A_33 = arith.constant 0 : i32
    %dma_start3A_34 = tpu.memref_slice %arg6[%mul3A_2, %dma_start3A_33] : memref<16384x128xf32, #tpu.memory_space<hbm>> -> memref<256x128xf32, #tpu.memory_space<hbm>>
    tpu.enqueue_dma source(%arg12 : memref<256x128xf32, #tpu.memory_space<vmem>>) target(%dma_start3A_34 : memref<256x128xf32, #tpu.memory_space<hbm>>) target_semaphore(%arg22 : memref<!tpu.dma_semaphore, #tpu.memory_space<semaphore_mem>>)
    %dma_wait3A_35 = arith.constant 0 : i32
    %dma_wait3A_36 = arith.constant 0 : i32
    %dma_wait3A_37 = tpu.memref_slice %arg4[%dma_wait3A_35, %dma_wait3A_36] : memref<100000x128xf32, #tpu.memory_space<hbm>> -> memref<100000x128xf32, #tpu.memory_space<hbm>>
    tpu.wait_indirect_dma semaphore(%arg20 : memref<!tpu.dma_semaphore, #tpu.memory_space<semaphore_mem>>) src(%dma_wait3A_37 : memref<100000x128xf32, #tpu.memory_space<hbm>>) dst(%arg13 : memref<256x128xf32, #tpu.memory_space<vmem>>)
    %add3A_38 = arith.constant 256 : i32
    %add3A_39 = arith.addi %mul3A_2, %add3A_38 : i32
    %dma_start3A_40 = arith.constant 0 : i32
    %dma_start3A_41 = tpu.memref_slice %arg6[%add3A_39, %dma_start3A_40] : memref<16384x128xf32, #tpu.memory_space<hbm>> -> memref<256x128xf32, #tpu.memory_space<hbm>>
    %dma_start3A_42 = arith.constant 0 : i32
    %dma_start3A_43 = tpu.memref_slice %arg6[%add3A_39, %dma_start3A_42] : memref<16384x128xf32, #tpu.memory_space<hbm>> -> memref<256x128xf32, #tpu.memory_space<hbm>>
    tpu.enqueue_dma source(%arg13 : memref<256x128xf32, #tpu.memory_space<vmem>>) target(%dma_start3A_43 : memref<256x128xf32, #tpu.memory_space<hbm>>) target_semaphore(%arg23 : memref<!tpu.dma_semaphore, #tpu.memory_space<semaphore_mem>>)
    %dma_wait3A_44 = tpu.memref_slice %arg3[%add3A_11] : memref<16384xi32, #tpu.memory_space<hbm>> -> memref<256xi32, #tpu.memory_space<hbm>>
    %dma_wait3A_45 = tpu.memref_slice %arg3[%add3A_11] : memref<16384xi32, #tpu.memory_space<hbm>> -> memref<256xi32, #tpu.memory_space<hbm>>
    tpu.wait_dma2 semaphore(%arg18 : memref<!tpu.dma_semaphore, #tpu.memory_space<semaphore_mem>>) src(%dma_wait3A_45 : memref<256xi32, #tpu.memory_space<hbm>>) dst(%arg11 : memref<256xi32, #tpu.memory_space<vmem>>)
    %dma_wait3A_46 = arith.constant 0 : i32
    %dma_wait3A_47 = tpu.memref_slice %arg6[%mul3A_2, %dma_wait3A_46] : memref<16384x128xf32, #tpu.memory_space<hbm>> -> memref<256x128xf32, #tpu.memory_space<hbm>>
    %dma_wait3A_48 = arith.constant 0 : i32
    %dma_wait3A_49 = tpu.memref_slice %arg6[%mul3A_2, %dma_wait3A_48] : memref<16384x128xf32, #tpu.memory_space<hbm>> -> memref<256x128xf32, #tpu.memory_space<hbm>>
    tpu.wait_dma2 semaphore(%arg22 : memref<!tpu.dma_semaphore, #tpu.memory_space<semaphore_mem>>) src(%arg12 : memref<256x128xf32, #tpu.memory_space<vmem>>) dst(%dma_wait3A_49 : memref<256x128xf32, #tpu.memory_space<hbm>>)
    %dma_start3A_50 = arith.constant 0 : i32
    %dma_start3A_51 = arith.constant 0 : i32
    %dma_start3A_52 = tpu.memref_slice %arg5[%dma_start3A_50, %dma_start3A_51] : memref<100000x128xf32, #tpu.memory_space<hbm>> -> memref<100000x128xf32, #tpu.memory_space<hbm>>
    tpu.enqueue_indirect_dma source(%dma_start3A_52 : memref<100000x128xf32, #tpu.memory_space<hbm>>) target(%arg12 : memref<256x128xf32, #tpu.memory_space<vmem>>) offsets(%arg11 : memref<256xi32, #tpu.memory_space<vmem>>) semaphore(%arg19 : memref<!tpu.dma_semaphore, #tpu.memory_space<semaphore_mem>>)
    %dma_wait3A_53 = arith.constant 0 : i32
    %dma_wait3A_54 = arith.constant 0 : i32
    %dma_wait3A_55 = tpu.memref_slice %arg5[%dma_wait3A_53, %dma_wait3A_54] : memref<100000x128xf32, #tpu.memory_space<hbm>> -> memref<100000x128xf32, #tpu.memory_space<hbm>>
    tpu.wait_indirect_dma semaphore(%arg21 : memref<!tpu.dma_semaphore, #tpu.memory_space<semaphore_mem>>) src(%dma_wait3A_55 : memref<100000x128xf32, #tpu.memory_space<hbm>>) dst(%arg14 : memref<256x128xf32, #tpu.memory_space<vmem>>)
    %dma_start3A_56 = arith.constant 0 : i32
    %dma_start3A_57 = tpu.memref_slice %arg7[%mul3A_2, %dma_start3A_56] : memref<16384x128xf32, #tpu.memory_space<hbm>> -> memref<256x128xf32, #tpu.memory_space<hbm>>
    %dma_start3A_58 = arith.constant 0 : i32
    %dma_start3A_59 = tpu.memref_slice %arg7[%mul3A_2, %dma_start3A_58] : memref<16384x128xf32, #tpu.memory_space<hbm>> -> memref<256x128xf32, #tpu.memory_space<hbm>>
    tpu.enqueue_dma source(%arg14 : memref<256x128xf32, #tpu.memory_space<vmem>>) target(%dma_start3A_59 : memref<256x128xf32, #tpu.memory_space<hbm>>) target_semaphore(%arg24 : memref<!tpu.dma_semaphore, #tpu.memory_space<semaphore_mem>>)
    %dma_wait3A_60 = arith.constant 0 : i32
    %dma_wait3A_61 = arith.constant 0 : i32
    %dma_wait3A_62 = tpu.memref_slice %arg5[%dma_wait3A_60, %dma_wait3A_61] : memref<100000x128xf32, #tpu.memory_space<hbm>> -> memref<100000x128xf32, #tpu.memory_space<hbm>>
    tpu.wait_indirect_dma semaphore(%arg19 : memref<!tpu.dma_semaphore, #tpu.memory_space<semaphore_mem>>) src(%dma_wait3A_62 : memref<100000x128xf32, #tpu.memory_space<hbm>>) dst(%arg12 : memref<256x128xf32, #tpu.memory_space<vmem>>)
    %add3A_63 = arith.constant 256 : i32
    %add3A_64 = arith.addi %mul3A_2, %add3A_63 : i32
    %dma_start3A_65 = arith.constant 0 : i32
    %dma_start3A_66 = tpu.memref_slice %arg7[%add3A_64, %dma_start3A_65] : memref<16384x128xf32, #tpu.memory_space<hbm>> -> memref<256x128xf32, #tpu.memory_space<hbm>>
    %dma_start3A_67 = arith.constant 0 : i32
    %dma_start3A_68 = tpu.memref_slice %arg7[%add3A_64, %dma_start3A_67] : memref<16384x128xf32, #tpu.memory_space<hbm>> -> memref<256x128xf32, #tpu.memory_space<hbm>>
    tpu.enqueue_dma source(%arg12 : memref<256x128xf32, #tpu.memory_space<vmem>>) target(%dma_start3A_68 : memref<256x128xf32, #tpu.memory_space<hbm>>) target_semaphore(%arg22 : memref<!tpu.dma_semaphore, #tpu.memory_space<semaphore_mem>>)
    %dma_wait3A_69 = arith.constant 0 : i32
    %dma_wait3A_70 = tpu.memref_slice %arg6[%add3A_39, %dma_wait3A_69] : memref<16384x128xf32, #tpu.memory_space<hbm>> -> memref<256x128xf32, #tpu.memory_space<hbm>>
    %dma_wait3A_71 = arith.constant 0 : i32
    %dma_wait3A_72 = tpu.memref_slice %arg6[%add3A_39, %dma_wait3A_71] : memref<16384x128xf32, #tpu.memory_space<hbm>> -> memref<256x128xf32, #tpu.memory_space<hbm>>
    tpu.wait_dma2 semaphore(%arg23 : memref<!tpu.dma_semaphore, #tpu.memory_space<semaphore_mem>>) src(%arg13 : memref<256x128xf32, #tpu.memory_space<vmem>>) dst(%dma_wait3A_72 : memref<256x128xf32, #tpu.memory_space<hbm>>)
    %dma_wait3A_73 = arith.constant 0 : i32
    %dma_wait3A_74 = tpu.memref_slice %arg7[%mul3A_2, %dma_wait3A_73] : memref<16384x128xf32, #tpu.memory_space<hbm>> -> memref<256x128xf32, #tpu.memory_space<hbm>>
    %dma_wait3A_75 = arith.constant 0 : i32
    %dma_wait3A_76 = tpu.memref_slice %arg7[%mul3A_2, %dma_wait3A_75] : memref<16384x128xf32, #tpu.memory_space<hbm>> -> memref<256x128xf32, #tpu.memory_space<hbm>>
    tpu.wait_dma2 semaphore(%arg24 : memref<!tpu.dma_semaphore, #tpu.memory_space<semaphore_mem>>) src(%arg14 : memref<256x128xf32, #tpu.memory_space<vmem>>) dst(%dma_wait3A_76 : memref<256x128xf32, #tpu.memory_space<hbm>>)
    %dma_wait3A_77 = arith.constant 0 : i32
    %dma_wait3A_78 = tpu.memref_slice %arg7[%add3A_64, %dma_wait3A_77] : memref<16384x128xf32, #tpu.memory_space<hbm>> -> memref<256x128xf32, #tpu.memory_space<hbm>>
    %dma_wait3A_79 = arith.constant 0 : i32
    %dma_wait3A_80 = tpu.memref_slice %arg7[%add3A_64, %dma_wait3A_79] : memref<16384x128xf32, #tpu.memory_space<hbm>> -> memref<256x128xf32, #tpu.memory_space<hbm>>
    tpu.wait_dma2 semaphore(%arg22 : memref<!tpu.dma_semaphore, #tpu.memory_space<semaphore_mem>>) src(%arg12 : memref<256x128xf32, #tpu.memory_space<vmem>>) dst(%dma_wait3A_80 : memref<256x128xf32, #tpu.memory_space<hbm>>)
    return
  }
}

module attributes {stable_mosaic.version = 14 : i64} {
  func.func @_mlp_body(%arg0: i32, %arg1: memref<4096x128xf32, #tpu.memory_space<vmem>>, %arg2: memref<4096x128xf32, #tpu.memory_space<vmem>>, %arg3: memref<128x64xf32, #tpu.memory_space<vmem>>, %arg4: memref<128x64xf32, #tpu.memory_space<vmem>>, %arg5: memref<1x64xf32, #tpu.memory_space<vmem>>, %arg6: memref<64x64xf32, #tpu.memory_space<vmem>>, %arg7: memref<1x64xf32, #tpu.memory_space<vmem>>, %arg8: memref<64x32xf32, #tpu.memory_space<vmem>>, %arg9: memref<1x32xf32, #tpu.memory_space<vmem>>, %arg10: memref<32x16xf32, #tpu.memory_space<vmem>>, %arg11: memref<1x16xf32, #tpu.memory_space<vmem>>, %arg12: memref<16x1xf32, #tpu.memory_space<vmem>>, %arg13: memref<1x1xf32, #tpu.memory_space<vmem>>, %arg14: memref<4096xf32, #tpu.memory_space<vmem>>) attributes {dimension_semantics = [#tpu.dimension_semantics<arbitrary>], iteration_bounds = array<i64: 4>, scalar_prefetch = 0 : i64, scratch_operands = 0 : i64, tpu.core_type = #tpu.core_type<tc>, window_params = [{transform_indices = @transform_0, window_bounds = array<i64: 4096, 128>}, {transform_indices = @transform_1, window_bounds = array<i64: 4096, 128>}, {pipeline_mode = #tpu.pipeline_mode<synchronous>, transform_indices = @transform_2, window_bounds = array<i64: 128, 64>}, {pipeline_mode = #tpu.pipeline_mode<synchronous>, transform_indices = @transform_3, window_bounds = array<i64: 128, 64>}, {pipeline_mode = #tpu.pipeline_mode<synchronous>, transform_indices = @transform_4, window_bounds = array<i64: 1, 64>}, {pipeline_mode = #tpu.pipeline_mode<synchronous>, transform_indices = @transform_5, window_bounds = array<i64: 64, 64>}, {pipeline_mode = #tpu.pipeline_mode<synchronous>, transform_indices = @transform_6, window_bounds = array<i64: 1, 64>}, {pipeline_mode = #tpu.pipeline_mode<synchronous>, transform_indices = @transform_7, window_bounds = array<i64: 64, 32>}, {pipeline_mode = #tpu.pipeline_mode<synchronous>, transform_indices = @transform_8, window_bounds = array<i64: 1, 32>}, {pipeline_mode = #tpu.pipeline_mode<synchronous>, transform_indices = @transform_9, window_bounds = array<i64: 32, 16>}, {pipeline_mode = #tpu.pipeline_mode<synchronous>, transform_indices = @transform_10, window_bounds = array<i64: 1, 16>}, {pipeline_mode = #tpu.pipeline_mode<synchronous>, transform_indices = @transform_11, window_bounds = array<i64: 16, 1>}, {pipeline_mode = #tpu.pipeline_mode<synchronous>, transform_indices = @transform_12, window_bounds = array<i64: 1, 1>}, {transform_indices = @transform_13, window_bounds = array<i64: 4096>}]} {
    %get3A = arith.constant 0 : index
    %get3A_0 = arith.constant 0 : index
    %get3A_1 = vector.load %arg1[%get3A, %get3A_0] : memref<4096x128xf32, #tpu.memory_space<vmem>>, vector<4096x128xf32>
    %get3A_2 = arith.constant 0 : index
    %get3A_3 = arith.constant 0 : index
    %get3A_4 = vector.load %arg3[%get3A_2, %get3A_3] : memref<128x64xf32, #tpu.memory_space<vmem>>, vector<128x64xf32>
    %convert_element_type3A = arith.truncf %get3A_1 : vector<4096x128xf32> to vector<4096x128xbf16>
    %convert_element_type3A_5 = arith.truncf %get3A_4 : vector<128x64xf32> to vector<128x64xbf16>
    %dot_general3A = arith.constant dense<0.000000e+00> : vector<4096x64xf32>
    %dot_general3A_6 = tpu.matmul %convert_element_type3A, %convert_element_type3A_5, %dot_general3A {dimension_numbers = #tpu.dot_dimension_numbers<[1], [0], [0], [1], [0, 0, 1, 1], [], []>, transpose_lhs_hint = false} : vector<4096x128xbf16>, vector<128x64xbf16>, vector<4096x64xf32> -> vector<4096x64xf32>
    %get3A_7 = arith.constant 0 : index
    %get3A_8 = arith.constant 0 : index
    %get3A_9 = vector.load %arg2[%get3A_7, %get3A_8] : memref<4096x128xf32, #tpu.memory_space<vmem>>, vector<4096x128xf32>
    %get3A_10 = arith.constant 0 : index
    %get3A_11 = arith.constant 0 : index
    %get3A_12 = vector.load %arg4[%get3A_10, %get3A_11] : memref<128x64xf32, #tpu.memory_space<vmem>>, vector<128x64xf32>
    %convert_element_type3A_13 = arith.truncf %get3A_9 : vector<4096x128xf32> to vector<4096x128xbf16>
    %convert_element_type3A_14 = arith.truncf %get3A_12 : vector<128x64xf32> to vector<128x64xbf16>
    %dot_general3A_15 = arith.constant dense<0.000000e+00> : vector<4096x64xf32>
    %dot_general3A_16 = tpu.matmul %convert_element_type3A_13, %convert_element_type3A_14, %dot_general3A_15 {dimension_numbers = #tpu.dot_dimension_numbers<[1], [0], [0], [1], [0, 0, 1, 1], [], []>, transpose_lhs_hint = false} : vector<4096x128xbf16>, vector<128x64xbf16>, vector<4096x64xf32> -> vector<4096x64xf32>
    %add3A = arith.addf %dot_general3A_6, %dot_general3A_16 : vector<4096x64xf32>
    %get3A_17 = arith.constant 0 : index
    %get3A_18 = arith.constant 0 : index
    %get3A_19 = vector.load %arg5[%get3A_17, %get3A_18] : memref<1x64xf32, #tpu.memory_space<vmem>>, vector<1x64xf32>
    %add3A_20 = vector.broadcast %get3A_19 : vector<1x64xf32> to vector<4096x64xf32>
    %add3A_21 = arith.addf %add3A, %add3A_20 : vector<4096x64xf32>
    %ge3A = arith.constant 0.000000e+00 : f32
    %ge3A_22 = vector.broadcast %ge3A : f32 to vector<4096x64xf32>
    %ge3A_23 = arith.cmpf oge, %add3A_21, %ge3A_22 : vector<4096x64xf32>
    %mul3A = arith.constant 0.00999999977 : f32
    %mul3A_24 = vector.broadcast %mul3A : f32 to vector<4096x64xf32>
    %mul3A_25 = arith.mulf %mul3A_24, %add3A_21 : vector<4096x64xf32>
    %select_n3A = arith.select %ge3A_23, %add3A_21, %mul3A_25 : vector<4096x64xi1>, vector<4096x64xf32>
    %get3A_26 = arith.constant 0 : index
    %get3A_27 = arith.constant 0 : index
    %get3A_28 = vector.load %arg6[%get3A_26, %get3A_27] : memref<64x64xf32, #tpu.memory_space<vmem>>, vector<64x64xf32>
    %dot_general3A_29 = arith.constant dense<0.000000e+00> : vector<4096x64xf32>
    %dot_general3A_30 = tpu.matmul %select_n3A, %get3A_28, %dot_general3A_29 {dimension_numbers = #tpu.dot_dimension_numbers<[1], [0], [0], [1], [0, 0, 1, 1], [], []>, transpose_lhs_hint = false} : vector<4096x64xf32>, vector<64x64xf32>, vector<4096x64xf32> -> vector<4096x64xf32>
    %get3A_31 = arith.constant 0 : index
    %get3A_32 = arith.constant 0 : index
    %get3A_33 = vector.load %arg7[%get3A_31, %get3A_32] : memref<1x64xf32, #tpu.memory_space<vmem>>, vector<1x64xf32>
    %add3A_34 = vector.broadcast %get3A_33 : vector<1x64xf32> to vector<4096x64xf32>
    %add3A_35 = arith.addf %dot_general3A_30, %add3A_34 : vector<4096x64xf32>
    %ge3A_36 = arith.constant 0.000000e+00 : f32
    %ge3A_37 = vector.broadcast %ge3A_36 : f32 to vector<4096x64xf32>
    %ge3A_38 = arith.cmpf oge, %add3A_35, %ge3A_37 : vector<4096x64xf32>
    %mul3A_39 = arith.constant 0.00999999977 : f32
    %mul3A_40 = vector.broadcast %mul3A_39 : f32 to vector<4096x64xf32>
    %mul3A_41 = arith.mulf %mul3A_40, %add3A_35 : vector<4096x64xf32>
    %select_n3A_42 = arith.select %ge3A_38, %add3A_35, %mul3A_41 : vector<4096x64xi1>, vector<4096x64xf32>
    %get3A_43 = arith.constant 0 : index
    %get3A_44 = arith.constant 0 : index
    %get3A_45 = vector.load %arg8[%get3A_43, %get3A_44] : memref<64x32xf32, #tpu.memory_space<vmem>>, vector<64x32xf32>
    %dot_general3A_46 = arith.constant dense<0.000000e+00> : vector<4096x32xf32>
    %dot_general3A_47 = tpu.matmul %select_n3A_42, %get3A_45, %dot_general3A_46 {dimension_numbers = #tpu.dot_dimension_numbers<[1], [0], [0], [1], [0, 0, 1, 1], [], []>, transpose_lhs_hint = false} : vector<4096x64xf32>, vector<64x32xf32>, vector<4096x32xf32> -> vector<4096x32xf32>
    %get3A_48 = arith.constant 0 : index
    %get3A_49 = arith.constant 0 : index
    %get3A_50 = vector.load %arg9[%get3A_48, %get3A_49] : memref<1x32xf32, #tpu.memory_space<vmem>>, vector<1x32xf32>
    %add3A_51 = vector.broadcast %get3A_50 : vector<1x32xf32> to vector<4096x32xf32>
    %add3A_52 = arith.addf %dot_general3A_47, %add3A_51 : vector<4096x32xf32>
    %ge3A_53 = arith.constant 0.000000e+00 : f32
    %ge3A_54 = vector.broadcast %ge3A_53 : f32 to vector<4096x32xf32>
    %ge3A_55 = arith.cmpf oge, %add3A_52, %ge3A_54 : vector<4096x32xf32>
    %mul3A_56 = arith.constant 0.00999999977 : f32
    %mul3A_57 = vector.broadcast %mul3A_56 : f32 to vector<4096x32xf32>
    %mul3A_58 = arith.mulf %mul3A_57, %add3A_52 : vector<4096x32xf32>
    %select_n3A_59 = arith.select %ge3A_55, %add3A_52, %mul3A_58 : vector<4096x32xi1>, vector<4096x32xf32>
    %get3A_60 = arith.constant 0 : index
    %get3A_61 = arith.constant 0 : index
    %get3A_62 = vector.load %arg10[%get3A_60, %get3A_61] : memref<32x16xf32, #tpu.memory_space<vmem>>, vector<32x16xf32>
    %dot_general3A_63 = arith.constant dense<0.000000e+00> : vector<4096x16xf32>
    %dot_general3A_64 = tpu.matmul %select_n3A_59, %get3A_62, %dot_general3A_63 {dimension_numbers = #tpu.dot_dimension_numbers<[1], [0], [0], [1], [0, 0, 1, 1], [], []>, transpose_lhs_hint = false} : vector<4096x32xf32>, vector<32x16xf32>, vector<4096x16xf32> -> vector<4096x16xf32>
    %get3A_65 = arith.constant 0 : index
    %get3A_66 = arith.constant 0 : index
    %get3A_67 = vector.load %arg11[%get3A_65, %get3A_66] : memref<1x16xf32, #tpu.memory_space<vmem>>, vector<1x16xf32>
    %add3A_68 = vector.broadcast %get3A_67 : vector<1x16xf32> to vector<4096x16xf32>
    %add3A_69 = arith.addf %dot_general3A_64, %add3A_68 : vector<4096x16xf32>
    %ge3A_70 = arith.constant 0.000000e+00 : f32
    %ge3A_71 = vector.broadcast %ge3A_70 : f32 to vector<4096x16xf32>
    %ge3A_72 = arith.cmpf oge, %add3A_69, %ge3A_71 : vector<4096x16xf32>
    %mul3A_73 = arith.constant 0.00999999977 : f32
    %mul3A_74 = vector.broadcast %mul3A_73 : f32 to vector<4096x16xf32>
    %mul3A_75 = arith.mulf %mul3A_74, %add3A_69 : vector<4096x16xf32>
    %select_n3A_76 = arith.select %ge3A_72, %add3A_69, %mul3A_75 : vector<4096x16xi1>, vector<4096x16xf32>
    %transpose3A = tpu.transpose %select_n3A_76, [1, 0] : vector<4096x16xf32> -> vector<16x4096xf32>
    %get3A_77 = arith.constant 0 : index
    %get3A_78 = arith.constant 0 : index
    %get3A_79 = vector.load %arg12[%get3A_77, %get3A_78] : memref<16x1xf32, #tpu.memory_space<vmem>>, vector<16x1xf32>
    %mul3A_80 = vector.broadcast %get3A_79 : vector<16x1xf32> to vector<16x4096xf32>
    %mul3A_81 = arith.mulf %transpose3A, %mul3A_80 : vector<16x4096xf32>
    %reduce_sum3A = arith.constant dense<0.000000e+00> : vector<4096xf32>
    %reduce_sum3A_82 = vector.multi_reduction <add>, %mul3A_81, %reduce_sum3A [0] : vector<16x4096xf32> to vector<4096xf32>
    %get3A_83 = arith.constant 0 : index
    %get3A_84 = arith.constant 0 : index
    %get3A_85 = vector.load %arg13[%get3A_83, %get3A_84] : memref<1x1xf32, #tpu.memory_space<vmem>>, vector<1x1xf32>
    %get3A_86 = vector.extract %get3A_85[0, 0] : f32 from vector<1x1xf32>
    %add3A_87 = vector.broadcast %get3A_86 : f32 to vector<4096xf32>
    %add3A_88 = arith.addf %reduce_sum3A_82, %add3A_87 : vector<4096xf32>
    %swap3A = arith.constant 0 : index
    %swap3A_89 = vector.load %arg14[%swap3A] : memref<4096xf32, #tpu.memory_space<vmem>>, vector<4096xf32>
    tpu.vector_store %arg14[%swap3A], %add3A_88 {strides = array<i32>} : memref<4096xf32, #tpu.memory_space<vmem>>, vector<4096xf32>,
    return
  }
  func.func @transform_0(%arg0: i32) -> (i32, i32) {
    %c0_i32 = arith.constant 0 : i32
    %c0_i32_0 = arith.constant 0 : i32
    return %arg0, %c0_i32 : i32, i32
  }
  func.func @transform_1(%arg0: i32) -> (i32, i32) {
    %c0_i32 = arith.constant 0 : i32
    %c0_i32_0 = arith.constant 0 : i32
    return %arg0, %c0_i32 : i32, i32
  }
  func.func @transform_2(%arg0: i32) -> (i32, i32) {
    %c0_i32 = arith.constant 0 : i32
    %c0_i32_0 = arith.constant 0 : i32
    %c0_i32_1 = arith.constant 0 : i32
    return %c0_i32, %c0_i32_0 : i32, i32
  }
  func.func @transform_3(%arg0: i32) -> (i32, i32) {
    %c0_i32 = arith.constant 0 : i32
    %c0_i32_0 = arith.constant 0 : i32
    %c0_i32_1 = arith.constant 0 : i32
    return %c0_i32, %c0_i32_0 : i32, i32
  }
  func.func @transform_4(%arg0: i32) -> (i32, i32) {
    %c0_i32 = arith.constant 0 : i32
    %c0_i32_0 = arith.constant 0 : i32
    %c0_i32_1 = arith.constant 0 : i32
    return %c0_i32, %c0_i32_0 : i32, i32
  }
  func.func @transform_5(%arg0: i32) -> (i32, i32) {
    %c0_i32 = arith.constant 0 : i32
    %c0_i32_0 = arith.constant 0 : i32
    %c0_i32_1 = arith.constant 0 : i32
    return %c0_i32, %c0_i32_0 : i32, i32
  }
  func.func @transform_6(%arg0: i32) -> (i32, i32) {
    %c0_i32 = arith.constant 0 : i32
    %c0_i32_0 = arith.constant 0 : i32
    %c0_i32_1 = arith.constant 0 : i32
    return %c0_i32, %c0_i32_0 : i32, i32
  }
  func.func @transform_7(%arg0: i32) -> (i32, i32) {
    %c0_i32 = arith.constant 0 : i32
    %c0_i32_0 = arith.constant 0 : i32
    %c0_i32_1 = arith.constant 0 : i32
    return %c0_i32, %c0_i32_0 : i32, i32
  }
  func.func @transform_8(%arg0: i32) -> (i32, i32) {
    %c0_i32 = arith.constant 0 : i32
    %c0_i32_0 = arith.constant 0 : i32
    %c0_i32_1 = arith.constant 0 : i32
    return %c0_i32, %c0_i32_0 : i32, i32
  }
  func.func @transform_9(%arg0: i32) -> (i32, i32) {
    %c0_i32 = arith.constant 0 : i32
    %c0_i32_0 = arith.constant 0 : i32
    %c0_i32_1 = arith.constant 0 : i32
    return %c0_i32, %c0_i32_0 : i32, i32
  }
  func.func @transform_10(%arg0: i32) -> (i32, i32) {
    %c0_i32 = arith.constant 0 : i32
    %c0_i32_0 = arith.constant 0 : i32
    %c0_i32_1 = arith.constant 0 : i32
    return %c0_i32, %c0_i32_0 : i32, i32
  }
  func.func @transform_11(%arg0: i32) -> (i32, i32) {
    %c0_i32 = arith.constant 0 : i32
    %c0_i32_0 = arith.constant 0 : i32
    %c0_i32_1 = arith.constant 0 : i32
    return %c0_i32, %c0_i32_0 : i32, i32
  }
  func.func @transform_12(%arg0: i32) -> (i32, i32) {
    %c0_i32 = arith.constant 0 : i32
    %c0_i32_0 = arith.constant 0 : i32
    %c0_i32_1 = arith.constant 0 : i32
    return %c0_i32, %c0_i32_0 : i32, i32
  }
  func.func @transform_13(%arg0: i32) -> i32 {
    %c0_i32 = arith.constant 0 : i32
    return %arg0 : i32
  }
}

</mosaic_0001>

<sc_bundles>
// kernel: kernel.4.cloned.1.call-start
scs
__scs_entry_jumppad:
0x0: {  	(pc) =	sbr.rel $0x88, $3  }
0x1: {  	(tag) =	ssettag $0x0;
	lr =	simm.s32 $0x1  }
0x2: {  	[smem:$0x3F93] =	sst lr;
	_ =	strace $0xD0000000  }
0x3: {  	_ = 	snop  }
0x4: {  	_ = 	snop  }
0x5: {  	_ = 	snop  }
0x6: {  	_ = 	snop  }
0x7: {  	_ = 	snop  }
__scs_overlays_trampoline_lowered:
0x8: {  	[smem:$0x3FA2] =	sst s0  }
0x9: {  	[smem:$0x3FA3] =	sst s1  }
0xa: {  	[smem:$0x3FA4] =	sst s2  }
0xb: {  	[smem:$0x3FA5] =	sst s3  }
0xc: {  	[smem:$0x3FA6] =	sst s4  }
0xd: {  	[smem:$0x3FA7] =	sst s5  }
0xe: {  	[smem:$0x3FA8] =	sst s6  }
0xf: {  	[smem:$0x3FA9] =	sst s7  }
0x10: {  	[smem:$0x3FAA] =	sst s8  }
0x11: {  	[smem:$0x3FAB] =	sst s9;
	s0 =	simm.s32 @!p0 $0x0  }
0x12: {  	s1 =	sld [smem:$0x3F91];
	s0 =	simm.s32 @p0 $0x1  }
0x13: {  	[smem:$0x3FAC] =	sst s0;
	s0 =	simm.s32 @!p1 $0x0  }
0x14: {  	s2 =	sld [smem:$0x3F90];
	s0 =	simm.s32 @p1 $0x1  }
0x15: {  	[smem:$0x3FAD] =	sst s0;
	s0 =	simm.s32 @!p2 $0x0  }
0x16: {  	s3 =	sld [smem:$0x3FDB];
	s0 =	simm.s32 @p2 $0x1  }
0x17: {  	s4 =	simm.s32 $0x1BF5;
	[smem:$0x3FAF] =	sst s0  }
0x18: {  	s0 =	sld [smem:$0x3F92];
	_ =	swait.ge [sflag:s4], $0x0  }
0x19: {  	s7 =	sld [smem:$0x3F93]  }
0x1a: {  	s8 =	sadd.s32 $0xFFFFE003, lr  }
0x1b: {  	s9 =	sadd.s32 $0xFFFFFEF7, lr;
	s5 =	simm.s32 $0xFFFFFFFF;
	p2 =	slt.u32 s8, $0xFFFFF086  }
0x1c: {  	p1 =	slt.u32 s9, $0xF7A;
	s5 =	simm.s32 @!p2 $0x0  }
0x1d: {  	s5 =	simm.s32 @p1 $0x1;
	p0 =	seq.s32 s7, s2  }
0x1e: {  	s7 =	smul.u32 @!p0 $0xF7A, s2;
	p2 =	seq.s32 @!p0 s5, $0x0  }
0x1f: {  	s9 =	smul.u32 $0xF7A, s1;
	s8 =	simm.s32 @!p0 $0x1BF5;
	p2 =	por !p2, p0  }
0x20: {  	[sflag:s8] =	ssyncset.s32 @!p0 $0xFFFFF086;
	s6 =	sadd.s32 @!p0 s3, s7;
	s7 =	simm.s32 @!p0 $0x108  }
0x21: {  	s3 =	sadd.s32 s3, s9;
	s6 =	sadd.s32 @!p0 $0x88, s6;
	s7 =	simm.s32 @p2 $0x1082  }
0x22: {  	[simem:s7], [sflag:s8] =	dma.local @!p0 [hbm:s6], $0xF7A  }
0x23: {  	s9 =	sor.u32 $0xD0000000, s2;
	s6 =	simm.s32 $0x108;
	_ =	swait.ge @!p0 [sflag:s8], $0x0  }
0x24: {  	s3 =	sadd.s32 $0x88, s3;
	s6 =	simm.s32 @!p1 $0x1082;
	[sflag:s4] =	ssyncset.s32 $0xFFFFF086  }
0x25: {  	[simem:s6], [sflag:s4] =	dma.local [hbm:s3], $0xF7A  }
0x26: {  	[smem:$0x3F93] =	sst s1;
	(tag) =	ssettag s2;
	_ =	strace s9  }
0x27: {  	s1 =	sld [smem:$0x3FA3]  }
0x28: {  	s2 =	sld [smem:$0x3FA4]  }
0x29: {  	s4 =	sld [smem:$0x3FA6]  }
0x2a: {  	p0 =	seq.s32 s5, $0x0;
	s5 =	sld [smem:$0x3FA7]  }
0x2b: {  	s6 =	sld [smem:$0x3FA8]  }
0x2c: {  	s7 =	sld [smem:$0x3FA9]  }
0x2d: {  	s3 =	simm.s32 $0x108;
	s8 =	sld [smem:$0x3FAA]  }
0x2e: {  	s3 =	simm.s32 @!p0 $0x1082;
	s9 =	sld [smem:$0x3FAB]  }
0x2f: {  	lr =	sadd.s32 s0, s3;
	s0 =	sld [smem:$0x3FA2]  }
0x30: {  	s3 =	sld [smem:$0x3FA5]  }
0x31: {  	[smem:$0x3FAE] =	sst s10  }
0x32: {  	s10 =	sld [smem:$0x3FAC];
	_ =	sdelay $0x3  }
0x33: {  	p0 =	seq.s32 s10, $0x1;
	s10 =	sld [smem:$0x3FAE];
	_ =	sdelay $0x3  }
0x34: {  	[smem:$0x3FAE] =	sst s10  }
0x35: {  	s10 =	sld [smem:$0x3FAD];
	_ =	sdelay $0x3  }
0x36: {  	p1 =	seq.s32 s10, $0x1;
	s10 =	sld [smem:$0x3FAE];
	_ =	sdelay $0x3  }
0x37: {  	[smem:$0x3FAE] =	sst s10  }
0x38: {  	s10 =	sld [smem:$0x3FAF]  }
0x39: {  	_ = 	snop;
	(pc) =	sbr.ind lr, $3  }
0x3a: {  	_ = 	snop  }
0x3b: {  	_ = 	snop  }
0x3c: {  	p2 =	seq.s32 s10, $0x1;
	s10 =	sld [smem:$0x3FAE]  }
0x3d: {  	_ =	shalt  }
0x3e: {  	_ =	shalt  }
0x3f: {  	_ =	shalt  }
0x40: {  	_ =	shalt  }
0x41: {  	_ =	shalt  }
0x42: {  	_ =	shalt  }
0x43: {  	_ =	shalt  }
0x44: {  	_ =	shalt  }
0x45: {  	_ =	shalt  }
0x46: {  	_ =	shalt  }
0x47: {  	_ =	shalt  }
0x48: {  	_ =	shalt  }
0x49: {  	_ =	shalt  }
0x4a: {  	_ =	shalt  }
0x4b: {  	_ =	shalt  }
0x4c: {  	_ =	shalt  }
0x4d: {  	_ =	shalt  }
0x4e: {  	_ =	shalt  }
0x4f: {  	_ =	shalt  }
0x50: {  	_ =	shalt  }
0x51: {  	_ =	shalt  }
0x52: {  	_ =	shalt  }
0x53: {  	_ =	shalt  }
0x54: {  	_ =	shalt  }
0x55: {  	_ =	shalt  }
0x56: {  	_ =	shalt  }
0x57: {  	_ =	shalt  }
0x58: {  	_ =	shalt  }
0x59: {  	_ =	shalt  }
0x5a: {  	_ =	shalt  }
0x5b: {  	_ =	shalt  }
0x5c: {  	_ =	shalt  }
0x5d: {  	_ =	shalt  }
0x5e: {  	_ =	shalt  }
0x5f: {  	_ =	shalt  }
0x60: {  	_ =	shalt  }
0x61: {  	_ =	shalt  }
0x62: {  	_ =	shalt  }
0x63: {  	_ =	shalt  }
0x64: {  	_ =	shalt  }
0x65: {  	_ =	shalt  }
0x66: {  	_ =	shalt  }
0x67: {  	_ =	shalt  }
0x68: {  	_ =	shalt  }
0x69: {  	_ =	shalt  }
0x6a: {  	_ =	shalt  }
0x6b: {  	_ =	shalt  }
0x6c: {  	_ =	shalt  }
0x6d: {  	_ =	shalt  }
0x6e: {  	_ =	shalt  }
0x6f: {  	_ =	shalt  }
0x70: {  	_ =	shalt  }
0x71: {  	_ =	shalt  }
0x72: {  	_ =	shalt  }
0x73: {  	_ =	shalt  }
0x74: {  	_ =	shalt  }
0x75: {  	_ =	shalt  }
0x76: {  	_ =	shalt  }
0x77: {  	_ =	shalt  }
0x78: {  	_ =	shalt  }
0x79: {  	_ =	shalt  }
0x7a: {  	_ =	shalt  }
0x7b: {  	_ =	shalt  }
0x7c: {  	_ =	shalt  }
0x7d: {  	_ =	shalt  }
0x7e: {  	_ =	shalt  }
0x7f: {  	_ =	shalt  }
0x80: {  	_ =	shalt  }
0x81: {  	_ =	shalt  }
0x82: {  	_ =	shalt  }
0x83: {  	_ =	shalt  }
0x84: {  	_ =	shalt  }
0x85: {  	_ =	shalt  }
0x86: {  	_ =	shalt  }
0x87: {  	_ =	shalt  }
.Lfunc_end0:
.L_simem_size_0:
called_computation_lowered:
.L_overlay_start_0:
0x88: {  	s2 =	sld [smem:$0x3FD9]  }
0x89: {  	s3 =	sld [smem:$0x3FFE];
	_ =	sdelay $0x1  }
0x8a: {  	s1 =	srdreg.scid  }
0x8b: {  	s0 =	sand.u32 $0x1, s1  }
0x8c: {  	s17 =	sshll.u32 s0, $0xA;
	s2 =	sadd.s32 s3, s2  }
0x8d: {  	s2 =	sadd.s32 s2, s17  }
0x8e: {  	[smem:$0x3FBA] =	sst s2  }
0x8f: {  	_ = 	snop  }
0x90: {  	s2 =	sld [smem:$0x3FC9]  }
0x91: {  	s18 =	sld [smem:$0x3FC8]  }
0x92: {  	s4 =	sld [smem:$0x3FC7]  }
0x93: {  	s5 =	sld [smem:$0x3FC6];
	(tm) =	ssettm $0x1  }
0x94: {  	s6 =	sld [smem:$0x3FFB];
	_ =	sdelay $0x3  }
0x95: {  	_ =	strace s6  }
0x96: {  	s6 =	sld [smem:$0x3FFC];
	_ =	sdelay $0x3  }
0x97: {  	_ =	strace s6  }
0x98: {  	s6 =	sld [smem:$0x3FFD];
	_ =	sdelay $0x3  }
0x99: {  	_ =	strace s6  }
0x9a: {  	_ =	strace $0x8FFFFFFF  }
0x9b: {  	s19 =	sld [smem:$0x3FDB];
	_ =	sdelay $0x1  }
0x9c: {  	s7 =	simm.s32 $_scs_section_size  }
0x9d: {  	s8 =	simm.s32 $_size__tile_overlayer_lowered;
	s9 =	simm.s32 $_tile_overlayer_lowered  }
0x9e: {  	s22 =	simm.s32 $0x1BFF;
	s21 =	sshll.u32 s9, $0x1;
	s6 =	sadd.s32 s7, s19  }
0x9f: {  	s10 =	simm.s32 $0x0;
	s20 =	sshll.u32 s8, $0x1;
	s8 =	sadd.s32 s21, s6  }
0xa0: {  	[timem:s10], [sflag:s22] =	dma.local [hbm:s8], s20  }
0xa1: {  	_ =	swait.ge [sflag:s22], s20  }
0xa2: {  	s7 =	ssub.s32 $0x0, s20;
	[sflag:s22] =	ssyncset.done $0x0  }
0xa3: {  	[sflag:s22] =	ssyncadd.s32 s7;
	_ =	sdelay $0x1  }
0xa4: {  	s23 =	simm.s32 $0x1B8B  }
0xa5: {  	_ =	swait.ge [sflag:s23], $0x1  }
0xa6: {  	[sflag:s23] =	ssyncset.done $0x0  }
0xa7: {  	s25 =	simm.s32 $0x1B8E;
	s24 =	sld [smem:$0x3FFE];
	[sflag:s23] =	ssyncadd.s32 $0xFFFFFFFF  }
0xa8: {  	s26 =	simm.s32 $execute0_lowered;
	[smem:$0x3FD2] =	sst s25  }
0xa9: {  	s8 =	sshll.u32 s26, $0x1;
	_ =	strace $0x80000046;
	[dreg:$0x1] =	wrdreg $0xFFFFFFFF  }
0xaa: {  	s28 =	simm.s32 $_size_execute0_lowered;
	s6 =	sadd.s32 s6, s8;
	[dreg:$0x0] =	wrdreg $0x0  }
0xab: {  	s8 =	sshll.u32 s28, $0x1;
	[dreg:$0x2] =	wrdreg s6  }
0xac: {  	[dreg:$0x3] =	wrdreg s8  }
0xad: {  	[dreg:$0x4] =	wrdreg $0xC0  }
0xae: {  	_ =	task [dreg:s10], $0x5FFFF  }
0xaf: {  	[dreg:$0x1] =	wrdreg $0xFFFFFFFF  }
0xb0: {  	[dreg:$0x0] =	wrdreg $0x60  }
0xb1: {  	[dreg:$0x2] =	wrdreg s2  }
0xb2: {  	[dreg:$0x3] =	wrdreg s18  }
0xb3: {  	[dreg:$0x4] =	wrdreg s4  }
0xb4: {  	[dreg:$0x5] =	wrdreg s5  }
0xb5: {  	[dreg:$0x6] =	wrdreg s24  }
0xb6: {  	[dreg:$0x7] =	wrdreg $0x9  }
0xb7: {  	_ =	task.clear_ibuf [dreg:s10], $0x8FFFF;
	_ =	strace $0x90000046  }
0xb8: {  	s29 =	simm.s32 $0x9;
	_ =	strace $0x80000048  }
0xb9: {  	_ =	swait.ge [sflag:s29], $0x1  }
0xba: {  	[sflag:s29] =	ssyncadd.s32 $0xFFFFFFFF  }
0xbb: {  	_ =	strace $0x90000048  }
0xbc: {  	_ =	sfence  }
0xbd: {  	s30 =	sld [smem:$0x0];
	_ =	sdelay $0x2  }
0xbe: {  	s31 =	sshll.u32 s1, $0xD;
	s1 =	sshrl.u32 s1, $0x2  }
0xbf: {  	s3 =	sand.u32 $0x4000, s31;
	s1 =	sadd.s32 s1, s30  }
0xc0: {  	s0 =	sor.u32 s3, s0;
	s1 =	sshll.u32 s1, $0x11  }
0xc1: {  	s0 =	sor.u32 s1, s0  }
0xc2: {  	s0 =	sadd.s32 $0x8F2B, s0  }
0xc3: {  	[sflag:s0] =	ssyncadd.remote.s32 $0x1  }
0xc4: {  	_ =	sfence.sel $0xFFFF  }
0xc5: {  	[dreg:$0x0] =	wrdreg $0xFFFFFFFF;
	(pc) =	sbr.abs _section_cstart, $3  }
0xc6: {  	[dreg:$0x1] =	wrdreg $0xFFFFFFFF  }
0xc7: {  	_ =	task.clear_ibuf [dreg:s10], $0x2FFFF;
	_ =	strace $0x9FFFFFFF  }
0xc8: {  	(tm) =	ssettm $0x7FFFFFFF  }
0xc9: {  	_ =	shalt  }
tec
execute0_lowered:
.L_overlay_start_1:
0x0: {  	(tag) =	ssettag $0x1  }
0x1: {  	s6 =	rddreg [dreg:$0x0]  }
0x2: {  	s10 =	rddreg [dreg:$0x1]  }
0x3: {  	s1 =	rddreg [dreg:$0x2];
	s2 =	srdreg.scid  }
0x4: {  	s3 =	rddreg [dreg:$0x3];
	s0 =	stileid.u32;
	s29 =	sand.u32 $0x1, s2  }
0x5: {  	s25 =	rddreg [dreg:$0x4];
	s5 =	sshll.u32 s0, $0xA;
	s7 =	sshll.u32 s29, $0x9  }
0x6: {  	s4 =	simm.s32 $0x0;
	s2 =	rddreg [dreg:$0x5];
	s19 =	sor.u32 s7, s5  }
0x7: {  	[smem:$0x7FF] =	sst s4;
	s8 =	sshrl.u32 s19, $0x3;
	s21 =	sor.u32 $0x100, s19  }
0x8: {  	_ =	strace $0x80000047;
	s5 =	sadd.s32 s6, s8;
	s11 =	sshrl.u32 s21, $0x3  }
0x9: {  	[tilespmem:s4], [sflag:$0x1] =	stream.linear.gather [hbm4b:s5+s4], $0x100, $0x38;
	[tilespmem:$0x18400] =	vst v63  }
0xa: {  	s7 =	simm.s32 $0x100;
	s6 =	sadd.s32 s6, s11  }
0xb: {  	[tilespmem:s7], [sflag:$0x2] =	stream.linear.gather [hbm4b:s6+s4], $0x100, $0x38;
	[tilespmem:$0x18400] =	vst v63  }
0xc: {  	s9 =	simm.s32 $0x200;
	s8 =	sadd.s32 s10, s8  }
0xd: {  	[tilespmem:s9], [sflag:$0x3] =	stream.linear.gather [hbm4b:s8+s4], $0x100, $0x38;
	[tilespmem:$0x18400] =	vst v63  }
0xe: {  	s12 =	simm.s32 $0x1;
	s10 =	sadd.s32 s10, s11;
	s11 =	simm.s32 $0x300  }
0xf: {  	[tilespmem:s11], [sflag:$0x4] =	stream.linear.gather [hbm4b:s10+s4], $0x100, $0x38;
	[tilespmem:$0x18400] =	vst v63  }
0x10: {  	_ =	swait.ge [sflag:s12], $0x100  }
0x11: {  	[sflag:s12] =	ssyncset.done $0x0  }
0x12: {  	s13 =	simm.s32 $0x400;
	s14 =	simm.s32 $0x2;
	[sflag:s12] =	ssyncadd.s32 $0xFFFFFF00  }
0x13: {  	[tilespmem:s13], [sflag:$0x5] =	stream.indirect.gather [hbm4b:s1+s7], $0x80, s4, s7, $0xb8;
	[tilespmem:$0x18400] =	vst v63  }
0x14: {  	_ =	swait.ge [sflag:s14], $0x100  }
0x15: {  	[sflag:s14] =	ssyncset.done $0x0  }
0x16: {  	s15 =	simm.s32 $0x8400;
	s16 =	simm.s32 $0x3;
	[sflag:s14] =	ssyncadd.s32 $0xFFFFFF00  }
0x17: {  	[tilespmem:s15], [sflag:$0x6] =	stream.indirect.gather [hbm4b:s1+s7], $0x80, s7, s7, $0xb8;
	[tilespmem:$0x18400] =	vst v63  }
0x18: {  	_ =	swait.ge [sflag:s16], $0x100  }
0x19: {  	[sflag:s16] =	ssyncset.done $0x0  }
0x1a: {  	s17 =	simm.s32 $0x10400;
	s18 =	simm.s32 $0x5;
	[sflag:s16] =	ssyncadd.s32 $0xFFFFFF00  }
0x1b: {  	[tilespmem:s17], [sflag:$0x7] =	stream.indirect.gather [hbm4b:s3+s7], $0x80, s9, s7, $0xb8;
	[tilespmem:$0x18400] =	vst v63  }
0x1c: {  	_ =	swait.ge [sflag:s18], $0x8000  }
0x1d: {  	s22 =	sadd.s32 $0x2000, s25;
	s26 =	sshll.u32 s19, $0x4;
	[sflag:s18] =	ssyncset.done $0x0  }
0x1e: {  	s20 =	simm.s32 $0x6;
	s19 =	sadd.s32 s22, s26;
	[sflag:s18] =	ssyncadd.s32 $0xFFFF8000  }
0x1f: {  	[hbm4b:s19+s4] =	stream.linear.scatter [tilespmem:s13], [sflag:$0x8], $0x8000, $0x38;
	[tilespmem:$0x18400] =	vst v63  }
0x20: {  	_ =	swait.ge [sflag:s20], $0x8000  }
0x21: {  	s28 =	sshll.u32 s21, $0x4;
	[sflag:s20] =	ssyncset.done $0x0  }
0x22: {  	s21 =	sadd.s32 s22, s28;
	s22 =	simm.s32 $0x4;
	[sflag:s20] =	ssyncadd.s32 $0xFFFF8000  }
0x23: {  	[hbm4b:s21+s4] =	stream.linear.scatter [tilespmem:s15], [sflag:$0x9], $0x8000, $0x38;
	[tilespmem:$0x18400] =	vst v63  }
0x24: {  	_ =	swait.ge [sflag:s22], $0x100  }
0x25: {  	[sflag:s22] =	ssyncset.done $0x0  }
0x26: {  	s23 =	simm.s32 $0x8;
	[sflag:s22] =	ssyncadd.s32 $0xFFFFFF00  }
0x27: {  	_ =	swait.ge [sflag:s23], $0x8000  }
0x28: {  	[sflag:s23] =	ssyncset.done $0x0  }
0x29: {  	s24 =	simm.s32 $0x7;
	[sflag:s23] =	ssyncadd.s32 $0xFFFF8000  }
0x2a: {  	[tilespmem:s13], [sflag:$0x5] =	stream.indirect.gather [hbm4b:s3+s7], $0x80, s11, s7, $0xb8;
	[tilespmem:$0x18400] =	vst v63  }
0x2b: {  	_ =	swait.ge [sflag:s24], $0x8000  }
0x2c: {  	s30 =	sadd.s32 $0x42000, s25;
	[sflag:s24] =	ssyncset.done $0x0  }
0x2d: {  	s25 =	sadd.s32 s30, s26;
	[sflag:s24] =	ssyncadd.s32 $0xFFFF8000  }
0x2e: {  	[hbm4b:s25+s4] =	stream.linear.scatter [tilespmem:s17], [sflag:$0xA], $0x8000, $0x38;
	[tilespmem:$0x18400] =	vst v63  }
0x2f: {  	_ =	swait.ge [sflag:s18], $0x8000  }
0x30: {  	s26 =	sadd.s32 s30, s28;
	s30 =	ssub.s32 $0x2, s29;
	[sflag:s18] =	ssyncset.done $0x0  }
0x31: {  	s28 =	simm.s32 $0x9;
	s31 =	sshrl.u32 s30, $0x1;
	[sflag:s18] =	ssyncadd.s32 $0xFFFF8000  }
0x32: {  	[hbm4b:s26+s4] =	stream.linear.scatter [tilespmem:s13], [sflag:$0x8], $0x8000, $0x38;
	[tilespmem:$0x18400] =	vst v63  }
0x33: {  	s30 =	ssub.s32 s30, s31;
	_ =	swait.ge [sflag:s28], $0x8000  }
0x34: {  	s30 =	smax.u32 s30, $0x1;
	[sflag:s28] =	ssyncset.done $0x0  }
0x35: {  	s29 =	simm.s32 $0xA;
	p0 =	sne.s32 s30, $0x1;
	[sflag:s28] =	ssyncadd.s32 $0xFFFF8000  }
.Ltmp0:
0x36: {  	_ =	swait.ge [sflag:s29], $0x8000;
	(pc) =	sbr.rel @!p0 .LBB2_2-.Ltmp0, $4  }
0x37: {  	[sflag:s29] =	ssyncset.done $0x0  }
0x38: {  	[sflag:s29] =	ssyncadd.s32 $0xFFFF8000  }
0x39: {  	_ =	swait.ge [sflag:s23], $0x8000  }
0x3a: {  	s30 =	sadd.s32 $0xFFFFFFFF, s30;
	[sflag:s23] =	ssyncset.done $0x0  }
.LBB2_1:
0x3b: {  	p0 =	sne.s32 s30, $0x1;
	s30 =	sadd.s32 $0xFFFFFFFF, s30;
	[sflag:s23] =	ssyncadd.s32 $0xFFFF8000  }
0x3c: {  	[tilespmem:s4], [sflag:$0x1] =	stream.linear.gather [hbm4b:s5+s4], $0x100, $0x38;
	[tilespmem:$0x18400] =	vst v63  }
0x3d: {  	_ = 	snop  }
0x3e: {  	[tilespmem:s7], [sflag:$0x2] =	stream.linear.gather [hbm4b:s6+s4], $0x100, $0x38;
	[tilespmem:$0x18400] =	vst v63  }
0x3f: {  	_ = 	snop  }
0x40: {  	[tilespmem:s9], [sflag:$0x3] =	stream.linear.gather [hbm4b:s8+s4], $0x100, $0x38;
	[tilespmem:$0x18400] =	vst v63  }
0x41: {  	_ = 	snop  }
0x42: {  	[tilespmem:s11], [sflag:$0x4] =	stream.linear.gather [hbm4b:s10+s4], $0x100, $0x38;
	[tilespmem:$0x18400] =	vst v63  }
0x43: {  	_ =	swait.ge [sflag:s12], $0x100  }
0x44: {  	[sflag:s12] =	ssyncset.done $0x0  }
0x45: {  	[sflag:s12] =	ssyncadd.s32 $0xFFFFFF00  }
0x46: {  	[tilespmem:s13], [sflag:$0x5] =	stream.indirect.gather [hbm4b:s1+s7], $0x80, s4, s7, $0xb8;
	[tilespmem:$0x18400] =	vst v63  }
0x47: {  	_ =	swait.ge [sflag:s14], $0x100  }
0x48: {  	[sflag:s14] =	ssyncset.done $0x0  }
0x49: {  	[sflag:s14] =	ssyncadd.s32 $0xFFFFFF00  }
0x4a: {  	[tilespmem:s15], [sflag:$0x6] =	stream.indirect.gather [hbm4b:s1+s7], $0x80, s7, s7, $0xb8;
	[tilespmem:$0x18400] =	vst v63  }
0x4b: {  	_ =	swait.ge [sflag:s16], $0x100  }
0x4c: {  	[sflag:s16] =	ssyncset.done $0x0  }
0x4d: {  	[sflag:s16] =	ssyncadd.s32 $0xFFFFFF00  }
0x4e: {  	[tilespmem:s17], [sflag:$0x7] =	stream.indirect.gather [hbm4b:s3+s7], $0x80, s9, s7, $0xb8;
	[tilespmem:$0x18400] =	vst v63  }
0x4f: {  	_ =	swait.ge [sflag:s18], $0x8000  }
0x50: {  	[sflag:s18] =	ssyncset.done $0x0  }
0x51: {  	[sflag:s18] =	ssyncadd.s32 $0xFFFF8000  }
0x52: {  	[hbm4b:s19+s4] =	stream.linear.scatter [tilespmem:s13], [sflag:$0x8], $0x8000, $0x38;
	[tilespmem:$0x18400] =	vst v63  }
0x53: {  	_ =	swait.ge [sflag:s20], $0x8000  }
0x54: {  	[sflag:s20] =	ssyncset.done $0x0  }
0x55: {  	[sflag:s20] =	ssyncadd.s32 $0xFFFF8000  }
0x56: {  	[hbm4b:s21+s4] =	stream.linear.scatter [tilespmem:s15], [sflag:$0x9], $0x8000, $0x38;
	[tilespmem:$0x18400] =	vst v63  }
0x57: {  	_ =	swait.ge [sflag:s22], $0x100  }
0x58: {  	[sflag:s22] =	ssyncset.done $0x0  }
0x59: {  	[sflag:s22] =	ssyncadd.s32 $0xFFFFFF00  }
0x5a: {  	_ =	swait.ge [sflag:s23], $0x8000  }
0x5b: {  	[sflag:s23] =	ssyncset.done $0x0  }
0x5c: {  	[sflag:s23] =	ssyncadd.s32 $0xFFFF8000  }
0x5d: {  	[tilespmem:s13], [sflag:$0x5] =	stream.indirect.gather [hbm4b:s3+s7], $0x80, s11, s7, $0xb8;
	[tilespmem:$0x18400] =	vst v63  }
0x5e: {  	_ =	swait.ge [sflag:s24], $0x8000  }
0x5f: {  	[sflag:s24] =	ssyncset.done $0x0  }
0x60: {  	[sflag:s24] =	ssyncadd.s32 $0xFFFF8000  }
0x61: {  	[hbm4b:s25+s4] =	stream.linear.scatter [tilespmem:s17], [sflag:$0xA], $0x8000, $0x38;
	[tilespmem:$0x18400] =	vst v63  }
0x62: {  	_ =	swait.ge [sflag:s18], $0x8000  }
0x63: {  	[sflag:s18] =	ssyncset.done $0x0  }
0x64: {  	[sflag:s18] =	ssyncadd.s32 $0xFFFF8000  }
0x65: {  	[hbm4b:s26+s4] =	stream.linear.scatter [tilespmem:s13], [sflag:$0x8], $0x8000, $0x38;
	[tilespmem:$0x18400] =	vst v63  }
0x66: {  	_ =	swait.ge [sflag:s28], $0x8000  }
0x67: {  	[sflag:s28] =	ssyncset.done $0x0  }
0x68: {  	[sflag:s28] =	ssyncadd.s32 $0xFFFF8000  }
.Ltmp1:
0x69: {  	_ =	swait.ge [sflag:s29], $0x8000;
	(pc) =	sbr.rel @p0 .LBB2_1-.Ltmp1, $4  }
0x6a: {  	[sflag:s29] =	ssyncset.done $0x0  }
0x6b: {  	[sflag:s29] =	ssyncadd.s32 $0xFFFF8000  }
0x6c: {  	_ =	swait.ge [sflag:s23], $0x8000  }
0x6d: {  	[sflag:s23] =	ssyncset.done $0x0  }
.LBB2_2:
0x6e: {  	[sflag:s23] =	ssyncadd.s32 $0xFFFF8000  }
0x6f: {  	_ =	sfence.sel $0x180000  }
0x70: {  	[bflag:$0x0] =	sbarrier.arrive $0xFFFF  }
0x71: {  	p0 =	sne.s32 s0, $0x0;
	_ =	strace $0x90000047  }
0x72: {  	s0 =	sadd.s32 @!p0 $0x100000, s2;
	[bflag:$0x2] =	sbarrier.arrive $0xFFFF  }
0x73: {  	[sflag:s0] =	ssyncadd.tile.s32 @!p0 $0x1;
	_ =	shalt  }
.Lfunc_end2:
_tile_overlayer_lowered:
.L_overlay_start_2:
0x74: {  	(tag) =	ssettag $0x2  }
0x75: {  	s0 =	rddreg [dreg:$0x0];
	s2 =	stileid.u32  }
0x76: {  	s1 =	rddreg [dreg:$0x1];
	p0 =	sne.s32 s2, $0x0  }
0x77: {  	s3 =	rddreg [dreg:$0x2];
	[bflag:$0x3] =	sbarrier.arrive $0xFFFF;
	s2 =	simm.s32 @!p0 $0x1C0B  }
0x78: {  	[timem:s3], [sflag:s2] =	dma.local @!p0 [hbm:s0], s1  }
0x79: {  	s0 =	simm.s32 @!p0 $0xB  }
0x7a: {  	_ =	swait.ge @!p0 [sflag:s0], s1  }
0x7b: {  	s1 =	ssub.s32 @!p0 $0x0, s1;
	[sflag:s0] =	ssyncset.done @!p0 $0x0  }
0x7c: {  	[sflag:s0] =	ssyncadd.s32 @!p0 s1  }
0x7d: {  	[bflag:$0x3] =	sbarrier.arrive $0xFFFF  }
0x7e: {  	_ =	shalt  }

</sc_bundles>
